<compile_context>
chip_gen: v7x
topology: tpu7x:2x2x1
jax: 0.10.2.dev20260603
libtpu: 0.0.44.dev20260713+nightly
codegen_flags: <defaults>
</compile_context>

<pallas_src>
import jax
import jax.numpy as jnp
from jax import lax
from jax.experimental import pallas as pl
from jax.experimental.pallas import tpu as pltpu
from jax.experimental.pallas import tpu_sc as plsc

DIM = 1024
CODE_DIM = 32
CODE_SIZE = 16384
COMMIT_W = 2.0
DIV_W = 0.5
DIV_TEMP = 100.0

NTOK = 4096
TOK_TILE = 128
NB = NTOK // TOK_TILE

_SC_CORES = 2
_SC_SUBCORES = 16
_NW = _SC_CORES * _SC_SUBCORES
_B_PER_W = NTOK // _NW


def _vq_main_body(x_ref, win_ref, bin_ref, cbt_ref,
                  idx_ref, loss_ref, prob_acc, commit_acc, cbsq_ref,
                  iota_ref):
    i = pl.program_id(0)

    @pl.when(i == 0)
    def _init():
        prob_acc[...] = jnp.zeros_like(prob_acc)
        commit_acc[...] = jnp.zeros_like(commit_acc)
        cbsq_ref[...] = jnp.sum(cbt_ref[...] * cbt_ref[...], axis=0,
                                keepdims=True) * (1.0 / DIV_TEMP)
        iota_ref[...] = lax.broadcasted_iota(
            jnp.int32, (1, CODE_SIZE), 1).astype(jnp.float32)

    xp = jnp.dot(x_ref[...], win_ref[...],
                 preferred_element_type=jnp.float32) + bin_ref[...]
    mm = jnp.dot(xp, cbt_ref[...], preferred_element_type=jnp.float32)
    xpsq = jnp.sum(xp * xp, axis=-1, keepdims=True) * (1.0 / DIV_TEMP)
    d = (xpsq - (2.0 / DIV_TEMP) * mm) + cbsq_ref[...]

    mind = jnp.min(d, axis=-1, keepdims=True)
    e = jnp.exp(mind - d)
    idxf = jnp.min(jnp.where(d == mind, iota_ref[...], float(CODE_SIZE)),
                   axis=-1)
    idx_ref[0, 0, :] = idxf.astype(jnp.int32)
    z = jnp.sum(e, axis=-1, keepdims=True)
    contrib = jnp.sum(e * (1.0 / z), axis=0, keepdims=True)
    prob_acc[...] += contrib

    lane = lax.broadcasted_iota(jnp.int32, (1, 128), 1)
    commit_acc[...] += jnp.where(lane == 0, jnp.sum(mind), 0.0)

    @pl.when(i == pl.num_programs(0) - 1)
    def _finalize():
        avg = prob_acc[...] * (1.0 / NTOK)
        div = jnp.sum(avg * jnp.log(avg + 1e-10))
        commit = jnp.sum(commit_acc[...]) * (DIV_TEMP / (NTOK * CODE_DIM))
        total = commit * COMMIT_W + div * DIV_W
        loss_ref[...] = jnp.where(
            lane == 0, commit, jnp.where(lane == 1, div,
                                         jnp.where(lane == 2, total, 0.0)))


def _vq_main(x2d, w_in, b_in2, cbt):
    return pl.pallas_call(
        _vq_main_body,
        grid=(NB,),
        in_specs=[
            pl.BlockSpec((TOK_TILE, DIM), lambda i: (i, 0)),
            pl.BlockSpec((DIM, CODE_DIM), lambda i: (0, 0)),
            pl.BlockSpec((1, CODE_DIM), lambda i: (0, 0)),
            pl.BlockSpec((CODE_DIM, CODE_SIZE), lambda i: (0, 0)),
        ],
        out_specs=[
            pl.BlockSpec((1, 1, TOK_TILE), lambda i: (i, 0, 0)),
            pl.BlockSpec((1, 128), lambda i: (0, 0)),
        ],
        out_shape=[
            jax.ShapeDtypeStruct((NB, 1, TOK_TILE), jnp.int32),
            jax.ShapeDtypeStruct((1, 128), jnp.float32),
        ],
        scratch_shapes=[
            pltpu.VMEM((1, CODE_SIZE), jnp.float32),
            pltpu.VMEM((1, 128), jnp.float32),
            pltpu.VMEM((1, CODE_SIZE), jnp.float32),
            pltpu.VMEM((1, CODE_SIZE), jnp.float32),
        ],
        compiler_params=pltpu.CompilerParams(
            dimension_semantics=("arbitrary",)),
    )(x2d, w_in, b_in2, cbt)


def _sc_gather_body(table_hbm, idx_hbm, out_hbm, idx_v, rows_v, sem):
    wid = lax.axis_index("s") * _SC_CORES + lax.axis_index("c")
    base = wid * _B_PER_W
    pltpu.sync_copy(idx_hbm.at[pl.ds(base, _B_PER_W)], idx_v)
    pltpu.async_copy(table_hbm.at[idx_v], rows_v, sem).wait()
    pltpu.sync_copy(rows_v, out_hbm.at[pl.ds(base, _B_PER_W)])


_GATHER_D = 128


def _sc_gather(cb_pad, idx_flat):
    mesh = plsc.VectorSubcoreMesh(core_axis_name="c", subcore_axis_name="s")
    f = pl.kernel(
        _sc_gather_body,
        jax.ShapeDtypeStruct((NTOK, _GATHER_D), jnp.float32),
        mesh=mesh,
        scratch_types=[
            pltpu.VMEM((_B_PER_W,), jnp.int32),
            pltpu.VMEM((_B_PER_W, _GATHER_D), jnp.float32),
            pltpu.SemaphoreType.DMA,
        ],
    )
    return f(cb_pad, idx_flat)


def _proj_body(q_ref, wout_ref, bout_ref, o_ref):
    o_ref[...] = jnp.dot(q_ref[...], wout_ref[...],
                         preferred_element_type=jnp.float32) + bout_ref[...]


_PROJ_TILE = 512


def _proj(quantized, w_out, b_out2):
    return pl.pallas_call(
        _proj_body,
        grid=(NTOK // _PROJ_TILE,),
        in_specs=[
            pl.BlockSpec((_PROJ_TILE, CODE_DIM), lambda i: (i, 0)),
            pl.BlockSpec((CODE_DIM, DIM), lambda i: (0, 0)),
            pl.BlockSpec((1, DIM), lambda i: (0, 0)),
        ],
        out_specs=pl.BlockSpec((_PROJ_TILE, DIM), lambda i: (i, 0)),
        out_shape=jax.ShapeDtypeStruct((NTOK, DIM), jnp.float32),
    )(quantized, w_out, b_out2)


def kernel(x, W_in, b_in, codebook, W_out, b_out):
    B, N, _ = x.shape
    x2d = x.reshape(NTOK, DIM)
    idx3, losses = _vq_main(x2d, W_in, b_in.reshape(1, CODE_DIM),
                            codebook.T)
    idx_flat = idx3.reshape(NTOK)
    cb_pad = jnp.pad(codebook, ((0, 0), (0, _GATHER_D - CODE_DIM)))
    quantized = _sc_gather(cb_pad, idx_flat)[:, :CODE_DIM]
    out2d = _proj(quantized, W_out, b_out.reshape(1, DIM))
    out = out2d.reshape(B, N, DIM)
    indices = idx_flat.reshape(B, N)
    commit_loss = losses[0, 0]
    diversity_loss = losses[0, 1]
    loss = losses[0, 2]
    return (out, indices, loss, (commit_loss, diversity_loss))

# --- scband reference (transcript-rebuilt; emitter-appended) ---
"""Pipeline reference for scband-vq-72662256713915 (READ-ONLY COPY).

The authoritative reference and input builder live on the scoring server;
editing this copy changes nothing except your own understanding.
"""

import jax, jax.numpy as jnp
import numpy as np

DIM = 1024
CODE_DIM = 32
CODE_SIZE = 16384
COMMIT_W = 2.0
DIV_W = 0.5
DIV_TEMP = 100.0


def setup_inputs(seed: int = 0) -> dict:
    key = jax.random.key(seed)
    ks = jax.random.split(key, 6)
    x = jax.random.normal(ks[0], (4, 1024, DIM), dtype=jnp.float32)
    W_in = jax.random.normal(ks[1], (DIM, CODE_DIM), dtype=jnp.float32) / np.sqrt(DIM)
    b_in = jnp.zeros((CODE_DIM,), dtype=jnp.float32)
    codebook = jax.random.normal(ks[2], (CODE_SIZE, CODE_DIM), dtype=jnp.float32)
    W_out = jax.random.normal(ks[3], (CODE_DIM, DIM), dtype=jnp.float32) / np.sqrt(CODE_DIM)
    b_out = jnp.zeros((DIM,), dtype=jnp.float32)
    return {"x": x, "W_in": W_in, "b_in": b_in, "codebook": codebook, "W_out": W_out, "b_out": b_out}


def reference(x, W_in, b_in, codebook, W_out, b_out):
    # project_in: dim -> codebook_dim (codebook_dim != dim)
    xp = x @ W_in + b_in  # [B, N, code_dim]
    # EMA codebook is a buffer (requires_grad=False) -> stop_gradient
    cb = jax.lax.stop_gradient(codebook)  # [K, code_dim]
    # squared euclidean distances [B, N, K]
    d = (jnp.sum(xp * xp, axis=-1, keepdims=True)
         - 2.0 * (xp @ cb.T)
         + jnp.sum(cb * cb, axis=-1))
    indices = jnp.argmin(d, axis=-1)  # [B, N]
    quantized = jnp.take(cb, indices, axis=0)  # [B, N, code_dim]
    # commitment loss: mse(quantize.detach(), x_projected)
    commit_loss = jnp.mean((jax.lax.stop_gradient(quantized) - xp) ** 2)
    # codebook diversity (entropy) loss over softmax of negative distances
    prob = jax.nn.softmax(-d * (1.0 / DIV_TEMP), axis=-1)  # [B, N, K]
    avg_prob = jnp.mean(prob, axis=(0, 1))  # [K]
    diversity_loss = jnp.sum(avg_prob * jnp.log(avg_prob + 1e-10))  # negative entropy
    # straight-through estimator
    quantize_st = xp + jax.lax.stop_gradient(quantized - xp)
    # project_out: codebook_dim -> dim
    out = quantize_st @ W_out + b_out  # [B, N, dim]
    loss = commit_loss * COMMIT_W + diversity_loss * DIV_W
    loss_breakdown = (commit_loss, diversity_loss)
    return (out, indices, loss, loss_breakdown)

if __name__ == "__main__":
    import jax
    _d = setup_inputs()
    print(jax.jit(kernel)(*tuple(_d.values())))

</pallas_src>

<mosaic_0001>
#map = affine_map<(d0, d1) -> (0, 0)>
#map1 = affine_map<(d0, d1) -> (0)>
module attributes {stable_mosaic.version = 14 : i64} {
  func.func @_sc_gather_body(%arg0: i32, %arg1: i32, %arg2: memref<16384x128xf32, #tpu.memory_space<hbm>>, %arg3: memref<4096xi32, #tpu.memory_space<hbm>>, %arg4: memref<4096x128xf32, #tpu.memory_space<hbm>>, %arg5: memref<128xi32, #tpu.memory_space<vmem>>, %arg6: memref<128x128xf32, #tpu.memory_space<vmem>>, %arg7: memref<!tpu.dma_semaphore, #tpu.memory_space<semaphore_mem>>) attributes {dimension_semantics = [#tpu.dimension_semantics<core_parallel>, #tpu.dimension_semantics<subcore_parallel>], iteration_bounds = array<i64: 2, 16>, scalar_prefetch = 0 : i64, scratch_operands = 3 : i64, tpu.core_type = #tpu.core_type<sc_vector_subcore>, window_params = [{transform_indices = #map}, {transform_indices = #map1}, {transform_indices = #map}]} {
    %mul3A = arith.constant 2 : i32
    %mul3A_0 = arith.muli %arg1, %mul3A : i32
    %add3A = arith.addi %mul3A_0, %arg0 : i32
    %mul3A_1 = arith.constant 128 : i32
    %mul3A_2 = arith.muli %add3A, %mul3A_1 : i32
    "tpu.region"() ({
      %run_scoped3A = tpu.sem_alloc : memref<!tpu.dma_semaphore, #tpu.memory_space<semaphore_mem>>
      %dma_start3A_7 = tpu.memref_slice %arg3[%mul3A_2] : memref<4096xi32, #tpu.memory_space<hbm>> -> memref<128xi32, #tpu.memory_space<hbm>>
      %dma_start3A_8 = tpu.memref_slice %arg3[%mul3A_2] : memref<4096xi32, #tpu.memory_space<hbm>> -> memref<128xi32, #tpu.memory_space<hbm>>
      tpu.enqueue_dma source(%dma_start3A_8 : memref<128xi32, #tpu.memory_space<hbm>>) target(%arg5 : memref<128xi32, #tpu.memory_space<vmem>>) target_semaphore(%run_scoped3A : memref<!tpu.dma_semaphore, #tpu.memory_space<semaphore_mem>>)
      %dma_wait3A_9 = tpu.memref_slice %arg3[%mul3A_2] : memref<4096xi32, #tpu.memory_space<hbm>> -> memref<128xi32, #tpu.memory_space<hbm>>
      %dma_wait3A_10 = tpu.memref_slice %arg3[%mul3A_2] : memref<4096xi32, #tpu.memory_space<hbm>> -> memref<128xi32, #tpu.memory_space<hbm>>
      tpu.wait_dma2 semaphore(%run_scoped3A : memref<!tpu.dma_semaphore, #tpu.memory_space<semaphore_mem>>) src(%dma_wait3A_10 : memref<128xi32, #tpu.memory_space<hbm>>) dst(%arg5 : memref<128xi32, #tpu.memory_space<vmem>>)
      tpu.yield
    }) : () -> ()
    %dma_start3A = arith.constant 0 : i32
    %dma_start3A_3 = arith.constant 0 : i32
    %dma_start3A_4 = tpu.memref_slice %arg2[%dma_start3A, %dma_start3A_3] : memref<16384x128xf32, #tpu.memory_space<hbm>> -> memref<16384x128xf32, #tpu.memory_space<hbm>>
    tpu.enqueue_indirect_dma source(%dma_start3A_4 : memref<16384x128xf32, #tpu.memory_space<hbm>>) target(%arg6 : memref<128x128xf32, #tpu.memory_space<vmem>>) offsets(%arg5 : memref<128xi32, #tpu.memory_space<vmem>>) semaphore(%arg7 : memref<!tpu.dma_semaphore, #tpu.memory_space<semaphore_mem>>)
    %dma_wait3A = arith.constant 0 : i32
    %dma_wait3A_5 = arith.constant 0 : i32
    %dma_wait3A_6 = tpu.memref_slice %arg2[%dma_wait3A, %dma_wait3A_5] : memref<16384x128xf32, #tpu.memory_space<hbm>> -> memref<16384x128xf32, #tpu.memory_space<hbm>>
    tpu.wait_indirect_dma semaphore(%arg7 : memref<!tpu.dma_semaphore, #tpu.memory_space<semaphore_mem>>) src(%dma_wait3A_6 : memref<16384x128xf32, #tpu.memory_space<hbm>>) dst(%arg6 : memref<128x128xf32, #tpu.memory_space<vmem>>)
    "tpu.region"() ({
      %run_scoped3A = tpu.sem_alloc : memref<!tpu.dma_semaphore, #tpu.memory_space<semaphore_mem>>
      %dma_start3A_7 = arith.constant 0 : i32
      %dma_start3A_8 = tpu.memref_slice %arg4[%mul3A_2, %dma_start3A_7] : memref<4096x128xf32, #tpu.memory_space<hbm>> -> memref<128x128xf32, #tpu.memory_space<hbm>>
      %dma_start3A_9 = arith.constant 0 : i32
      %dma_start3A_10 = tpu.memref_slice %arg4[%mul3A_2, %dma_start3A_9] : memref<4096x128xf32, #tpu.memory_space<hbm>> -> memref<128x128xf32, #tpu.memory_space<hbm>>
      tpu.enqueue_dma source(%arg6 : memref<128x128xf32, #tpu.memory_space<vmem>>) target(%dma_start3A_10 : memref<128x128xf32, #tpu.memory_space<hbm>>) target_semaphore(%run_scoped3A : memref<!tpu.dma_semaphore, #tpu.memory_space<semaphore_mem>>)
      %dma_wait3A_11 = arith.constant 0 : i32
      %dma_wait3A_12 = tpu.memref_slice %arg4[%mul3A_2, %dma_wait3A_11] : memref<4096x128xf32, #tpu.memory_space<hbm>> -> memref<128x128xf32, #tpu.memory_space<hbm>>
      %dma_wait3A_13 = arith.constant 0 : i32
      %dma_wait3A_14 = tpu.memref_slice %arg4[%mul3A_2, %dma_wait3A_13] : memref<4096x128xf32, #tpu.memory_space<hbm>> -> memref<128x128xf32, #tpu.memory_space<hbm>>
      tpu.wait_dma2 semaphore(%run_scoped3A : memref<!tpu.dma_semaphore, #tpu.memory_space<semaphore_mem>>) src(%arg6 : memref<128x128xf32, #tpu.memory_space<vmem>>) dst(%dma_wait3A_14 : memref<128x128xf32, #tpu.memory_space<hbm>>)
      tpu.yield
    }) : () -> ()
    return
  }
}

module attributes {stable_mosaic.version = 14 : i64} {
  func.func @_vq_main_body(%arg0: i32, %arg1: memref<128x1024xf32, #tpu.memory_space<vmem>>, %arg2: memref<1024x32xf32, #tpu.memory_space<vmem>>, %arg3: memref<1x32xf32, #tpu.memory_space<vmem>>, %arg4: memref<32x16384xf32, #tpu.memory_space<vmem>>, %arg5: memref<1x1x128xi32, #tpu.memory_space<vmem>>, %arg6: memref<1x128xf32, #tpu.memory_space<vmem>>, %arg7: memref<1x16384xf32, #tpu.memory_space<vmem>>, %arg8: memref<1x128xf32, #tpu.memory_space<vmem>>, %arg9: memref<1x16384xf32, #tpu.memory_space<vmem>>, %arg10: memref<1x16384xf32, #tpu.memory_space<vmem>>) attributes {dimension_semantics = [#tpu.dimension_semantics<arbitrary>], iteration_bounds = array<i64: 32>, scalar_prefetch = 0 : i64, scratch_operands = 4 : i64, tpu.core_type = #tpu.core_type<tc>, window_params = [{transform_indices = @transform_0, window_bounds = array<i64: 128, 1024>}, {pipeline_mode = #tpu.pipeline_mode<synchronous>, transform_indices = @transform_1, window_bounds = array<i64: 1024, 32>}, {pipeline_mode = #tpu.pipeline_mode<synchronous>, transform_indices = @transform_2, window_bounds = array<i64: 1, 32>}, {pipeline_mode = #tpu.pipeline_mode<synchronous>, transform_indices = @transform_3, window_bounds = array<i64: 32, 16384>}, {transform_indices = @transform_4, window_bounds = array<i64: 1, 1, 128>}, {pipeline_mode = #tpu.pipeline_mode<synchronous>, transform_indices = @transform_5, window_bounds = array<i64: 1, 128>}]} {
    %eq3A = arith.constant 0 : i32
    %eq3A_0 = arith.cmpi eq, %arg0, %eq3A : i32
    %convert_element_type3A = arith.extui %eq3A_0 : i1 to i32
    %cond3A = arith.constant 0 : i32
    %cond3A_1 = arith.cmpi ne, %convert_element_type3A, %cond3A : i32
    scf.if %cond3A_1 {
      %broadcast_in_dim3A_91 = arith.constant 0.000000e+00 : f32
      %broadcast_in_dim3A_92 = vector.broadcast %broadcast_in_dim3A_91 : f32 to vector<1x16384xf32>
      %swap3A_93 = arith.constant 0 : index
      %swap3A_94 = arith.constant 0 : index
      %swap3A_95 = vector.load %arg7[%swap3A_93, %swap3A_94] : memref<1x16384xf32, #tpu.memory_space<vmem>>, vector<1x16384xf32>
      tpu.vector_store %arg7[%swap3A_93, %swap3A_94], %broadcast_in_dim3A_92 {strides = array<i32>} : memref<1x16384xf32, #tpu.memory_space<vmem>>, vector<1x16384xf32>,
      %broadcast_in_dim3A_96 = arith.constant 0.000000e+00 : f32
      %broadcast_in_dim3A_97 = vector.broadcast %broadcast_in_dim3A_96 : f32 to vector<1x128xf32>
      %swap3A_98 = arith.constant 0 : index
      %swap3A_99 = arith.constant 0 : index
      %swap3A_100 = vector.load %arg8[%swap3A_98, %swap3A_99] : memref<1x128xf32, #tpu.memory_space<vmem>>, vector<1x128xf32>
      tpu.vector_store %arg8[%swap3A_98, %swap3A_99], %broadcast_in_dim3A_97 {strides = array<i32>} : memref<1x128xf32, #tpu.memory_space<vmem>>, vector<1x128xf32>,
      %get3A_101 = arith.constant 0 : index
      %get3A_102 = arith.constant 0 : index
      %get3A_103 = vector.load %arg4[%get3A_101, %get3A_102] : memref<32x16384xf32, #tpu.memory_space<vmem>>, vector<32x16384xf32>
      %get3A_104 = arith.constant 0 : index
      %get3A_105 = arith.constant 0 : index
      %get3A_106 = vector.load %arg4[%get3A_104, %get3A_105] : memref<32x16384xf32, #tpu.memory_space<vmem>>, vector<32x16384xf32>
      %mul3A_107 = arith.mulf %get3A_103, %get3A_106 : vector<32x16384xf32>
      %reduce_sum3A_108 = arith.constant dense<0.000000e+00> : vector<16384xf32>
      %reduce_sum3A_109 = vector.multi_reduction <add>, %mul3A_107, %reduce_sum3A_108 [0] : vector<32x16384xf32> to vector<16384xf32>
      %broadcast_in_dim3A_110 = vector.shape_cast %reduce_sum3A_109 : vector<16384xf32> to vector<1x16384xf32>
      %mul3A_111 = arith.constant 0.00999999977 : f32
      %mul3A_112 = vector.broadcast %mul3A_111 : f32 to vector<1x16384xf32>
      %mul3A_113 = arith.mulf %broadcast_in_dim3A_110, %mul3A_112 : vector<1x16384xf32>
      %swap3A_114 = arith.constant 0 : index
      %swap3A_115 = arith.constant 0 : index
      %swap3A_116 = vector.load %arg9[%swap3A_114, %swap3A_115] : memref<1x16384xf32, #tpu.memory_space<vmem>>, vector<1x16384xf32>
      tpu.vector_store %arg9[%swap3A_114, %swap3A_115], %mul3A_113 {strides = array<i32>} : memref<1x16384xf32, #tpu.memory_space<vmem>>, vector<1x16384xf32>,
      %iota3A_117 = tpu.iota {dimensions = array<i32: 1>} : vector<1x16384xi32>
      %convert_element_type3A_118 = arith.sitofp %iota3A_117 : vector<1x16384xi32> to vector<1x16384xf32>
      %swap3A_119 = arith.constant 0 : index
      %swap3A_120 = arith.constant 0 : index
      %swap3A_121 = vector.load %arg10[%swap3A_119, %swap3A_120] : memref<1x16384xf32, #tpu.memory_space<vmem>>, vector<1x16384xf32>
      tpu.vector_store %arg10[%swap3A_119, %swap3A_120], %convert_element_type3A_118 {strides = array<i32>} : memref<1x16384xf32, #tpu.memory_space<vmem>>, vector<1x16384xf32>,
    } else {
    }
    %get3A = arith.constant 0 : index
    %get3A_2 = arith.constant 0 : index
    %get3A_3 = vector.load %arg1[%get3A, %get3A_2] : memref<128x1024xf32, #tpu.memory_space<vmem>>, vector<128x1024xf32>
    %get3A_4 = arith.constant 0 : index
    %get3A_5 = arith.constant 0 : index
    %get3A_6 = vector.load %arg2[%get3A_4, %get3A_5] : memref<1024x32xf32, #tpu.memory_space<vmem>>, vector<1024x32xf32>
    %dot_general3A = arith.constant dense<0.000000e+00> : vector<128x32xf32>
    %dot_general3A_7 = tpu.matmul %get3A_3, %get3A_6, %dot_general3A {dimension_numbers = #tpu.dot_dimension_numbers<[1], [0], [0], [1], [0, 0, 1, 1], [], []>, transpose_lhs_hint = false} : vector<128x1024xf32>, vector<1024x32xf32>, vector<128x32xf32> -> vector<128x32xf32>
    %get3A_8 = arith.constant 0 : index
    %get3A_9 = arith.constant 0 : index
    %get3A_10 = vector.load %arg3[%get3A_8, %get3A_9] : memref<1x32xf32, #tpu.memory_space<vmem>>, vector<1x32xf32>
    %add3A = vector.broadcast %get3A_10 : vector<1x32xf32> to vector<128x32xf32>
    %add3A_11 = arith.addf %dot_general3A_7, %add3A : vector<128x32xf32>
    %get3A_12 = arith.constant 0 : index
    %get3A_13 = arith.constant 0 : index
    %get3A_14 = vector.load %arg4[%get3A_12, %get3A_13] : memref<32x16384xf32, #tpu.memory_space<vmem>>, vector<32x16384xf32>
    %dot_general3A_15 = arith.constant dense<0.000000e+00> : vector<128x16384xf32>
    %dot_general3A_16 = tpu.matmul %add3A_11, %get3A_14, %dot_general3A_15 {dimension_numbers = #tpu.dot_dimension_numbers<[1], [0], [0], [1], [0, 0, 1, 1], [], []>, transpose_lhs_hint = false} : vector<128x32xf32>, vector<32x16384xf32>, vector<128x16384xf32> -> vector<128x16384xf32>
    %mul3A = arith.mulf %add3A_11, %add3A_11 : vector<128x32xf32>
    %reduce_sum3A = arith.constant dense<0.000000e+00> : vector<128xf32>
    %reduce_sum3A_17 = vector.multi_reduction <add>, %mul3A, %reduce_sum3A [1] : vector<128x32xf32> to vector<128xf32>
    %broadcast_in_dim3A = vector.shape_cast %reduce_sum3A_17 : vector<128xf32> to vector<128x1xf32>
    %mul3A_18 = arith.constant 0.00999999977 : f32
    %mul3A_19 = vector.broadcast %mul3A_18 : f32 to vector<128x1xf32>
    %mul3A_20 = arith.mulf %broadcast_in_dim3A, %mul3A_19 : vector<128x1xf32>
    %mul3A_21 = arith.constant 2.000000e-02 : f32
    %mul3A_22 = vector.broadcast %mul3A_21 : f32 to vector<128x16384xf32>
    %mul3A_23 = arith.mulf %mul3A_22, %dot_general3A_16 : vector<128x16384xf32>
    %sub3A = vector.broadcast %mul3A_20 : vector<128x1xf32> to vector<128x16384xf32>
    %sub3A_24 = arith.subf %sub3A, %mul3A_23 : vector<128x16384xf32>
    %get3A_25 = arith.constant 0 : index
    %get3A_26 = arith.constant 0 : index
    %get3A_27 = vector.load %arg9[%get3A_25, %get3A_26] : memref<1x16384xf32, #tpu.memory_space<vmem>>, vector<1x16384xf32>
    %add3A_28 = vector.broadcast %get3A_27 : vector<1x16384xf32> to vector<128x16384xf32>
    %add3A_29 = arith.addf %sub3A_24, %add3A_28 : vector<128x16384xf32>
    %reduce_min3A = arith.constant dense<0x7F800000> : vector<128xf32>
    %reduce_min3A_30 = vector.multi_reduction <minimumf>, %add3A_29, %reduce_min3A [1] : vector<128x16384xf32> to vector<128xf32>
    %broadcast_in_dim3A_31 = vector.shape_cast %reduce_min3A_30 : vector<128xf32> to vector<128x1xf32>
    %sub3A_32 = vector.broadcast %broadcast_in_dim3A_31 : vector<128x1xf32> to vector<128x16384xf32>
    %sub3A_33 = arith.subf %sub3A_32, %add3A_29 : vector<128x16384xf32>
    %exp3A = math.exp %sub3A_33 : vector<128x16384xf32>
    %eq3A_34 = vector.broadcast %broadcast_in_dim3A_31 : vector<128x1xf32> to vector<128x16384xf32>
    %eq3A_35 = arith.cmpf oeq, %add3A_29, %eq3A_34 : vector<128x16384xf32>
    %get3A_36 = arith.constant 0 : index
    %get3A_37 = arith.constant 0 : index
    %get3A_38 = vector.load %arg10[%get3A_36, %get3A_37] : memref<1x16384xf32, #tpu.memory_space<vmem>>, vector<1x16384xf32>
    %jit3A = arith.constant 1.638400e+04 : f32
    %broadcast_in_dim3A_39 = vector.shape_cast %get3A_38 : vector<1x16384xf32> to vector<1x16384xf32>
    %broadcast_in_dim3A_40 = vector.broadcast %broadcast_in_dim3A_39 : vector<1x16384xf32> to vector<128x16384xf32>
    %broadcast_in_dim3A_41 = vector.broadcast %jit3A : f32 to vector<128x16384xf32>
    %select_n3A = arith.select %eq3A_35, %broadcast_in_dim3A_40, %broadcast_in_dim3A_41 : vector<128x16384xi1>, vector<128x16384xf32>
    %reduce_min3A_42 = arith.constant dense<0x7F800000> : vector<128xf32>
    %reduce_min3A_43 = vector.multi_reduction <minimumf>, %select_n3A, %reduce_min3A_42 [1] : vector<128x16384xf32> to vector<128xf32>
    %convert_element_type3A_44 = arith.fptosi %reduce_min3A_43 : vector<128xf32> to vector<128xi32>
    %swap3A = arith.constant 0 : index
    %swap3A_45 = arith.constant 0 : index
    %swap3A_46 = arith.constant 0 : index
    %swap3A_47 = vector.load %arg5[%swap3A, %swap3A_45, %swap3A_46] : memref<1x1x128xi32, #tpu.memory_space<vmem>>, vector<1x1x128xi32>
    %swap3A_48 = vector.shape_cast %swap3A_47 : vector<1x1x128xi32> to vector<128xi32>
    %swap3A_49 = vector.shape_cast %convert_element_type3A_44 : vector<128xi32> to vector<1x1x128xi32>
    tpu.vector_store %arg5[%swap3A, %swap3A_45, %swap3A_46], %swap3A_49 {strides = array<i32>} : memref<1x1x128xi32, #tpu.memory_space<vmem>>, vector<1x1x128xi32>,
    %reduce_sum3A_50 = arith.constant dense<0.000000e+00> : vector<128xf32>
    %reduce_sum3A_51 = vector.multi_reduction <add>, %exp3A, %reduce_sum3A_50 [1] : vector<128x16384xf32> to vector<128xf32>
    %broadcast_in_dim3A_52 = vector.shape_cast %reduce_sum3A_51 : vector<128xf32> to vector<128x1xf32>
    %div3A = arith.constant 1.000000e+00 : f32
    %div3A_53 = vector.broadcast %div3A : f32 to vector<128x1xf32>
    %div3A_54 = arith.divf %div3A_53, %broadcast_in_dim3A_52 : vector<128x1xf32>
    %mul3A_55 = vector.broadcast %div3A_54 : vector<128x1xf32> to vector<128x16384xf32>
    %mul3A_56 = arith.mulf %exp3A, %mul3A_55 : vector<128x16384xf32>
    %reduce_sum3A_57 = arith.constant dense<0.000000e+00> : vector<16384xf32>
    %reduce_sum3A_58 = vector.multi_reduction <add>, %mul3A_56, %reduce_sum3A_57 [0] : vector<128x16384xf32> to vector<16384xf32>
    %broadcast_in_dim3A_59 = vector.shape_cast %reduce_sum3A_58 : vector<16384xf32> to vector<1x16384xf32>
    %get3A_60 = arith.constant 0 : index
    %get3A_61 = arith.constant 0 : index
    %get3A_62 = vector.load %arg7[%get3A_60, %get3A_61] : memref<1x16384xf32, #tpu.memory_space<vmem>>, vector<1x16384xf32>
    %add3A_63 = arith.addf %get3A_62, %broadcast_in_dim3A_59 : vector<1x16384xf32>
    %swap3A_64 = arith.constant 0 : index
    %swap3A_65 = arith.constant 0 : index
    %swap3A_66 = vector.load %arg7[%swap3A_64, %swap3A_65] : memref<1x16384xf32, #tpu.memory_space<vmem>>, vector<1x16384xf32>
    tpu.vector_store %arg7[%swap3A_64, %swap3A_65], %add3A_63 {strides = array<i32>} : memref<1x16384xf32, #tpu.memory_space<vmem>>, vector<1x16384xf32>,
    %iota3A = tpu.iota {dimensions = array<i32: 1>} : vector<1x128xi32>
    %get3A_67 = arith.constant 0 : index
    %get3A_68 = arith.constant 0 : index
    %get3A_69 = vector.load %arg8[%get3A_67, %get3A_68] : memref<1x128xf32, #tpu.memory_space<vmem>>, vector<1x128xf32>
    %eq3A_70 = arith.constant 0 : i32
    %eq3A_71 = vector.broadcast %eq3A_70 : i32 to vector<1x128xi32>
    %eq3A_72 = arith.cmpi eq, %iota3A, %eq3A_71 : vector<1x128xi32>
    %reduce_sum3A_73 = vector.shape_cast %broadcast_in_dim3A_31 : vector<128x1xf32> to vector<1x128x1xf32>
    %reduce_sum3A_74 = arith.constant dense<0.000000e+00> : vector<1xf32>
    %reduce_sum3A_75 = vector.multi_reduction <add>, %reduce_sum3A_73, %reduce_sum3A_74 [1, 2] : vector<1x128x1xf32> to vector<1xf32>
    %reduce_sum3A_76 = vector.shape_cast %reduce_sum3A_75 : vector<1xf32> to vector<1x1x1xf32>
    %reduce_sum3A_77 = vector.extract %reduce_sum3A_76[0, 0, 0] : f32 from vector<1x1x1xf32>
    %jit3A_78 = arith.constant 0.000000e+00 : f32
    %broadcast_in_dim3A_79 = vector.broadcast %reduce_sum3A_77 : f32 to vector<1x128xf32>
    %broadcast_in_dim3A_80 = vector.broadcast %jit3A_78 : f32 to vector<1x128xf32>
    %select_n3A_81 = arith.select %eq3A_72, %broadcast_in_dim3A_79, %broadcast_in_dim3A_80 : vector<1x128xi1>, vector<1x128xf32>
    %add3A_82 = arith.addf %get3A_69, %select_n3A_81 : vector<1x128xf32>
    %swap3A_83 = arith.constant 0 : index
    %swap3A_84 = arith.constant 0 : index
    %swap3A_85 = vector.load %arg8[%swap3A_83, %swap3A_84] : memref<1x128xf32, #tpu.memory_space<vmem>>, vector<1x128xf32>
    tpu.vector_store %arg8[%swap3A_83, %swap3A_84], %add3A_82 {strides = array<i32>} : memref<1x128xf32, #tpu.memory_space<vmem>>, vector<1x128xf32>,
    %eq3A_86 = arith.constant 31 : i32
    %eq3A_87 = arith.cmpi eq, %arg0, %eq3A_86 : i32
    %convert_element_type3A_88 = arith.extui %eq3A_87 : i1 to i32
    %cond3A_89 = arith.constant 0 : i32
    %cond3A_90 = arith.cmpi ne, %convert_element_type3A_88, %cond3A_89 : i32
    scf.if %cond3A_90 {
      %get3A_91 = arith.constant 0 : index
      %get3A_92 = arith.constant 0 : index
      %get3A_93 = vector.load %arg7[%get3A_91, %get3A_92] : memref<1x16384xf32, #tpu.memory_space<vmem>>, vector<1x16384xf32>
      %mul3A_94 = arith.constant 2.44140625E-4 : f32
      %mul3A_95 = vector.broadcast %mul3A_94 : f32 to vector<1x16384xf32>
      %mul3A_96 = arith.mulf %get3A_93, %mul3A_95 : vector<1x16384xf32>
      %add3A_97 = arith.constant 1.000000e-10 : f32
      %add3A_98 = vector.broadcast %add3A_97 : f32 to vector<1x16384xf32>
      %add3A_99 = arith.addf %mul3A_96, %add3A_98 : vector<1x16384xf32>
      %log3A = math.log %add3A_99 : vector<1x16384xf32>
      %mul3A_100 = arith.mulf %mul3A_96, %log3A : vector<1x16384xf32>
      %reduce_sum3A_101 = vector.shape_cast %mul3A_100 : vector<1x16384xf32> to vector<1x1x16384xf32>
      %reduce_sum3A_102 = arith.constant dense<0.000000e+00> : vector<1xf32>
      %reduce_sum3A_103 = vector.multi_reduction <add>, %reduce_sum3A_101, %reduce_sum3A_102 [1, 2] : vector<1x1x16384xf32> to vector<1xf32>
      %reduce_sum3A_104 = vector.shape_cast %reduce_sum3A_103 : vector<1xf32> to vector<1x1x1xf32>
      %reduce_sum3A_105 = vector.extract %reduce_sum3A_104[0, 0, 0] : f32 from vector<1x1x1xf32>
      %get3A_106 = arith.constant 0 : index
      %get3A_107 = arith.constant 0 : index
      %get3A_108 = vector.load %arg8[%get3A_106, %get3A_107] : memref<1x128xf32, #tpu.memory_space<vmem>>, vector<1x128xf32>
      %reduce_sum3A_109 = vector.shape_cast %get3A_108 : vector<1x128xf32> to vector<1x1x128xf32>
      %reduce_sum3A_110 = arith.constant dense<0.000000e+00> : vector<1xf32>
      %reduce_sum3A_111 = vector.multi_reduction <add>, %reduce_sum3A_109, %reduce_sum3A_110 [1, 2] : vector<1x1x128xf32> to vector<1xf32>
      %reduce_sum3A_112 = vector.shape_cast %reduce_sum3A_111 : vector<1xf32> to vector<1x1x1xf32>
      %reduce_sum3A_113 = vector.extract %reduce_sum3A_112[0, 0, 0] : f32 from vector<1x1x1xf32>
      %mul3A_114 = arith.constant 7.62939453E-4 : f32
      %mul3A_115 = arith.mulf %reduce_sum3A_113, %mul3A_114 : f32
      %mul3A_116 = arith.constant 2.000000e+00 : f32
      %mul3A_117 = arith.mulf %mul3A_115, %mul3A_116 : f32
      %mul3A_118 = arith.constant 5.000000e-01 : f32
      %mul3A_119 = arith.mulf %reduce_sum3A_105, %mul3A_118 : f32
      %add3A_120 = arith.addf %mul3A_117, %mul3A_119 : f32
      %eq3A_121 = arith.constant 0 : i32
      %eq3A_122 = vector.broadcast %eq3A_121 : i32 to vector<1x128xi32>
      %eq3A_123 = arith.cmpi eq, %iota3A, %eq3A_122 : vector<1x128xi32>
      %eq3A_124 = arith.constant 1 : i32
      %eq3A_125 = vector.broadcast %eq3A_124 : i32 to vector<1x128xi32>
      %eq3A_126 = arith.cmpi eq, %iota3A, %eq3A_125 : vector<1x128xi32>
      %eq3A_127 = arith.constant 2 : i32
      %eq3A_128 = vector.broadcast %eq3A_127 : i32 to vector<1x128xi32>
      %eq3A_129 = arith.cmpi eq, %iota3A, %eq3A_128 : vector<1x128xi32>
      %jit3A_130 = arith.constant 0.000000e+00 : f32
      %broadcast_in_dim3A_131 = vector.broadcast %add3A_120 : f32 to vector<1x128xf32>
      %broadcast_in_dim3A_132 = vector.broadcast %jit3A_130 : f32 to vector<1x128xf32>
      %select_n3A_133 = arith.select %eq3A_129, %broadcast_in_dim3A_131, %broadcast_in_dim3A_132 : vector<1x128xi1>, vector<1x128xf32>
      %broadcast_in_dim3A_134 = vector.broadcast %reduce_sum3A_105 : f32 to vector<1x128xf32>
      %select_n3A_135 = arith.select %eq3A_126, %broadcast_in_dim3A_134, %select_n3A_133 : vector<1x128xi1>, vector<1x128xf32>
      %broadcast_in_dim3A_136 = vector.broadcast %mul3A_115 : f32 to vector<1x128xf32>
      %select_n3A_137 = arith.select %eq3A_123, %broadcast_in_dim3A_136, %select_n3A_135 : vector<1x128xi1>, vector<1x128xf32>
      %swap3A_138 = arith.constant 0 : index
      %swap3A_139 = arith.constant 0 : index
      %swap3A_140 = vector.load %arg6[%swap3A_138, %swap3A_139] : memref<1x128xf32, #tpu.memory_space<vmem>>, vector<1x128xf32>
      tpu.vector_store %arg6[%swap3A_138, %swap3A_139], %select_n3A_137 {strides = array<i32>} : memref<1x128xf32, #tpu.memory_space<vmem>>, vector<1x128xf32>,
    } else {
    }
    return
  }
  func.func @transform_0(%arg0: i32) -> (i32, i32) {
    %c0_i32 = arith.constant 0 : i32
    %c0_i32_0 = arith.constant 0 : i32
    return %arg0, %c0_i32 : i32, i32
  }
  func.func @transform_1(%arg0: i32) -> (i32, i32) {
    %c0_i32 = arith.constant 0 : i32
    %c0_i32_0 = arith.constant 0 : i32
    %c0_i32_1 = arith.constant 0 : i32
    return %c0_i32, %c0_i32_0 : i32, i32
  }
  func.func @transform_2(%arg0: i32) -> (i32, i32) {
    %c0_i32 = arith.constant 0 : i32
    %c0_i32_0 = arith.constant 0 : i32
    %c0_i32_1 = arith.constant 0 : i32
    return %c0_i32, %c0_i32_0 : i32, i32
  }
  func.func @transform_3(%arg0: i32) -> (i32, i32) {
    %c0_i32 = arith.constant 0 : i32
    %c0_i32_0 = arith.constant 0 : i32
    %c0_i32_1 = arith.constant 0 : i32
    return %c0_i32, %c0_i32_0 : i32, i32
  }
  func.func @transform_4(%arg0: i32) -> (i32, i32, i32) {
    %c0_i32 = arith.constant 0 : i32
    %c0_i32_0 = arith.constant 0 : i32
    %c0_i32_1 = arith.constant 0 : i32
    return %arg0, %c0_i32, %c0_i32_0 : i32, i32, i32
  }
  func.func @transform_5(%arg0: i32) -> (i32, i32) {
    %c0_i32 = arith.constant 0 : i32
    %c0_i32_0 = arith.constant 0 : i32
    %c0_i32_1 = arith.constant 0 : i32
    return %c0_i32, %c0_i32_0 : i32, i32
  }
}

module attributes {stable_mosaic.version = 14 : i64} {
  func.func @_proj_body(%arg0: i32, %arg1: memref<512x32xf32, #tpu.memory_space<vmem>>, %arg2: memref<32x1024xf32, #tpu.memory_space<vmem>>, %arg3: memref<1x1024xf32, #tpu.memory_space<vmem>>, %arg4: memref<512x1024xf32, #tpu.memory_space<vmem>>) attributes {dimension_semantics = [#tpu.dimension_semantics<arbitrary>], iteration_bounds = array<i64: 8>, scalar_prefetch = 0 : i64, scratch_operands = 0 : i64, tpu.core_type = #tpu.core_type<tc>, window_params = [{transform_indices = @transform_0, window_bounds = array<i64: 512, 32>}, {pipeline_mode = #tpu.pipeline_mode<synchronous>, transform_indices = @transform_1, window_bounds = array<i64: 32, 1024>}, {pipeline_mode = #tpu.pipeline_mode<synchronous>, transform_indices = @transform_2, window_bounds = array<i64: 1, 1024>}, {transform_indices = @transform_3, window_bounds = array<i64: 512, 1024>}]} {
    %get3A = arith.constant 0 : index
    %get3A_0 = arith.constant 0 : index
    %get3A_1 = vector.load %arg1[%get3A, %get3A_0] : memref<512x32xf32, #tpu.memory_space<vmem>>, vector<512x32xf32>
    %get3A_2 = arith.constant 0 : index
    %get3A_3 = arith.constant 0 : index
    %get3A_4 = vector.load %arg2[%get3A_2, %get3A_3] : memref<32x1024xf32, #tpu.memory_space<vmem>>, vector<32x1024xf32>
    %dot_general3A = arith.constant dense<0.000000e+00> : vector<512x1024xf32>
    %dot_general3A_5 = tpu.matmul %get3A_1, %get3A_4, %dot_general3A {dimension_numbers = #tpu.dot_dimension_numbers<[1], [0], [0], [1], [0, 0, 1, 1], [], []>, transpose_lhs_hint = false} : vector<512x32xf32>, vector<32x1024xf32>, vector<512x1024xf32> -> vector<512x1024xf32>
    %get3A_6 = arith.constant 0 : index
    %get3A_7 = arith.constant 0 : index
    %get3A_8 = vector.load %arg3[%get3A_6, %get3A_7] : memref<1x1024xf32, #tpu.memory_space<vmem>>, vector<1x1024xf32>
    %add3A = vector.broadcast %get3A_8 : vector<1x1024xf32> to vector<512x1024xf32>
    %add3A_9 = arith.addf %dot_general3A_5, %add3A : vector<512x1024xf32>
    %swap3A = arith.constant 0 : index
    %swap3A_10 = arith.constant 0 : index
    %swap3A_11 = vector.load %arg4[%swap3A, %swap3A_10] : memref<512x1024xf32, #tpu.memory_space<vmem>>, vector<512x1024xf32>
    tpu.vector_store %arg4[%swap3A, %swap3A_10], %add3A_9 {strides = array<i32>} : memref<512x1024xf32, #tpu.memory_space<vmem>>, vector<512x1024xf32>,
    return
  }
  func.func @transform_0(%arg0: i32) -> (i32, i32) {
    %c0_i32 = arith.constant 0 : i32
    %c0_i32_0 = arith.constant 0 : i32
    return %arg0, %c0_i32 : i32, i32
  }
  func.func @transform_1(%arg0: i32) -> (i32, i32) {
    %c0_i32 = arith.constant 0 : i32
    %c0_i32_0 = arith.constant 0 : i32
    %c0_i32_1 = arith.constant 0 : i32
    return %c0_i32, %c0_i32_0 : i32, i32
  }
  func.func @transform_2(%arg0: i32) -> (i32, i32) {
    %c0_i32 = arith.constant 0 : i32
    %c0_i32_0 = arith.constant 0 : i32
    %c0_i32_1 = arith.constant 0 : i32
    return %c0_i32, %c0_i32_0 : i32, i32
  }
  func.func @transform_3(%arg0: i32) -> (i32, i32) {
    %c0_i32 = arith.constant 0 : i32
    %c0_i32_0 = arith.constant 0 : i32
    return %arg0, %c0_i32 : i32, i32
  }
}

</mosaic_0001>

<sc_bundles>
// kernel: kernel.5.cloned.1.call-start
scs
__scs_entry_jumppad:
0x0: {  	(pc) =	sbr.rel $0x88, $3  }
0x1: {  	(tag) =	ssettag $0x0;
	lr =	simm.s32 $0x1  }
0x2: {  	[smem:$0x3F9B] =	sst lr;
	_ =	strace $0xD0000000  }
0x3: {  	_ = 	snop  }
0x4: {  	_ = 	snop  }
0x5: {  	_ = 	snop  }
0x6: {  	_ = 	snop  }
0x7: {  	_ = 	snop  }
__scs_overlays_trampoline_lowered:
0x8: {  	[smem:$0x3FAA] =	sst s0  }
0x9: {  	[smem:$0x3FAB] =	sst s1  }
0xa: {  	[smem:$0x3FAC] =	sst s2  }
0xb: {  	[smem:$0x3FAD] =	sst s3  }
0xc: {  	[smem:$0x3FAE] =	sst s4  }
0xd: {  	[smem:$0x3FAF] =	sst s5  }
0xe: {  	[smem:$0x3FB0] =	sst s6  }
0xf: {  	[smem:$0x3FB1] =	sst s7  }
0x10: {  	[smem:$0x3FB2] =	sst s8  }
0x11: {  	[smem:$0x3FB3] =	sst s9;
	s0 =	simm.s32 @!p0 $0x0  }
0x12: {  	s1 =	sld [smem:$0x3F99];
	s0 =	simm.s32 @p0 $0x1  }
0x13: {  	[smem:$0x3FB4] =	sst s0;
	s0 =	simm.s32 @!p1 $0x0  }
0x14: {  	s2 =	sld [smem:$0x3F98];
	s0 =	simm.s32 @p1 $0x1  }
0x15: {  	[smem:$0x3FB5] =	sst s0;
	s0 =	simm.s32 @!p2 $0x0  }
0x16: {  	s3 =	sld [smem:$0x3FDB];
	s0 =	simm.s32 @p2 $0x1  }
0x17: {  	s4 =	simm.s32 $0x1BF5;
	[smem:$0x3FB7] =	sst s0  }
0x18: {  	s0 =	sld [smem:$0x3F9A];
	_ =	swait.ge [sflag:s4], $0x0  }
0x19: {  	s7 =	sld [smem:$0x3F9B]  }
0x1a: {  	s8 =	sadd.s32 $0xFFFFE003, lr  }
0x1b: {  	s9 =	sadd.s32 $0xFFFFFEF7, lr;
	s5 =	simm.s32 $0xFFFFFFFF;
	p2 =	slt.u32 s8, $0xFFFFF086  }
0x1c: {  	p1 =	slt.u32 s9, $0xF7A;
	s5 =	simm.s32 @!p2 $0x0  }
0x1d: {  	s5 =	simm.s32 @p1 $0x1;
	p0 =	seq.s32 s7, s2  }
0x1e: {  	s7 =	smul.u32 @!p0 $0xF7A, s2;
	p2 =	seq.s32 @!p0 s5, $0x0  }
0x1f: {  	s9 =	smul.u32 $0xF7A, s1;
	s8 =	simm.s32 @!p0 $0x1BF5;
	p2 =	por !p2, p0  }
0x20: {  	[sflag:s8] =	ssyncset.s32 @!p0 $0xFFFFF086;
	s6 =	sadd.s32 @!p0 s3, s7;
	s7 =	simm.s32 @!p0 $0x108  }
0x21: {  	s3 =	sadd.s32 s3, s9;
	s6 =	sadd.s32 @!p0 $0x88, s6;
	s7 =	simm.s32 @p2 $0x1082  }
0x22: {  	[simem:s7], [sflag:s8] =	dma.local @!p0 [hbm:s6], $0xF7A  }
0x23: {  	s9 =	sor.u32 $0xD0000000, s2;
	s6 =	simm.s32 $0x108;
	_ =	swait.ge @!p0 [sflag:s8], $0x0  }
0x24: {  	s3 =	sadd.s32 $0x88, s3;
	s6 =	simm.s32 @!p1 $0x1082;
	[sflag:s4] =	ssyncset.s32 $0xFFFFF086  }
0x25: {  	[simem:s6], [sflag:s4] =	dma.local [hbm:s3], $0xF7A  }
0x26: {  	[smem:$0x3F9B] =	sst s1;
	(tag) =	ssettag s2;
	_ =	strace s9  }
0x27: {  	s1 =	sld [smem:$0x3FAB]  }
0x28: {  	s2 =	sld [smem:$0x3FAC]  }
0x29: {  	s4 =	sld [smem:$0x3FAE]  }
0x2a: {  	p0 =	seq.s32 s5, $0x0;
	s5 =	sld [smem:$0x3FAF]  }
0x2b: {  	s6 =	sld [smem:$0x3FB0]  }
0x2c: {  	s7 =	sld [smem:$0x3FB1]  }
0x2d: {  	s3 =	simm.s32 $0x108;
	s8 =	sld [smem:$0x3FB2]  }
0x2e: {  	s3 =	simm.s32 @!p0 $0x1082;
	s9 =	sld [smem:$0x3FB3]  }
0x2f: {  	lr =	sadd.s32 s0, s3;
	s0 =	sld [smem:$0x3FAA]  }
0x30: {  	s3 =	sld [smem:$0x3FAD]  }
0x31: {  	[smem:$0x3FB6] =	sst s10  }
0x32: {  	s10 =	sld [smem:$0x3FB4];
	_ =	sdelay $0x3  }
0x33: {  	p0 =	seq.s32 s10, $0x1;
	s10 =	sld [smem:$0x3FB6];
	_ =	sdelay $0x3  }
0x34: {  	[smem:$0x3FB6] =	sst s10  }
0x35: {  	s10 =	sld [smem:$0x3FB5];
	_ =	sdelay $0x3  }
0x36: {  	p1 =	seq.s32 s10, $0x1;
	s10 =	sld [smem:$0x3FB6];
	_ =	sdelay $0x3  }
0x37: {  	[smem:$0x3FB6] =	sst s10  }
0x38: {  	s10 =	sld [smem:$0x3FB7]  }
0x39: {  	_ = 	snop;
	(pc) =	sbr.ind lr, $3  }
0x3a: {  	_ = 	snop  }
0x3b: {  	_ = 	snop  }
0x3c: {  	p2 =	seq.s32 s10, $0x1;
	s10 =	sld [smem:$0x3FB6]  }
0x3d: {  	_ =	shalt  }
0x3e: {  	_ =	shalt  }
0x3f: {  	_ =	shalt  }
0x40: {  	_ =	shalt  }
0x41: {  	_ =	shalt  }
0x42: {  	_ =	shalt  }
0x43: {  	_ =	shalt  }
0x44: {  	_ =	shalt  }
0x45: {  	_ =	shalt  }
0x46: {  	_ =	shalt  }
0x47: {  	_ =	shalt  }
0x48: {  	_ =	shalt  }
0x49: {  	_ =	shalt  }
0x4a: {  	_ =	shalt  }
0x4b: {  	_ =	shalt  }
0x4c: {  	_ =	shalt  }
0x4d: {  	_ =	shalt  }
0x4e: {  	_ =	shalt  }
0x4f: {  	_ =	shalt  }
0x50: {  	_ =	shalt  }
0x51: {  	_ =	shalt  }
0x52: {  	_ =	shalt  }
0x53: {  	_ =	shalt  }
0x54: {  	_ =	shalt  }
0x55: {  	_ =	shalt  }
0x56: {  	_ =	shalt  }
0x57: {  	_ =	shalt  }
0x58: {  	_ =	shalt  }
0x59: {  	_ =	shalt  }
0x5a: {  	_ =	shalt  }
0x5b: {  	_ =	shalt  }
0x5c: {  	_ =	shalt  }
0x5d: {  	_ =	shalt  }
0x5e: {  	_ =	shalt  }
0x5f: {  	_ =	shalt  }
0x60: {  	_ =	shalt  }
0x61: {  	_ =	shalt  }
0x62: {  	_ =	shalt  }
0x63: {  	_ =	shalt  }
0x64: {  	_ =	shalt  }
0x65: {  	_ =	shalt  }
0x66: {  	_ =	shalt  }
0x67: {  	_ =	shalt  }
0x68: {  	_ =	shalt  }
0x69: {  	_ =	shalt  }
0x6a: {  	_ =	shalt  }
0x6b: {  	_ =	shalt  }
0x6c: {  	_ =	shalt  }
0x6d: {  	_ =	shalt  }
0x6e: {  	_ =	shalt  }
0x6f: {  	_ =	shalt  }
0x70: {  	_ =	shalt  }
0x71: {  	_ =	shalt  }
0x72: {  	_ =	shalt  }
0x73: {  	_ =	shalt  }
0x74: {  	_ =	shalt  }
0x75: {  	_ =	shalt  }
0x76: {  	_ =	shalt  }
0x77: {  	_ =	shalt  }
0x78: {  	_ =	shalt  }
0x79: {  	_ =	shalt  }
0x7a: {  	_ =	shalt  }
0x7b: {  	_ =	shalt  }
0x7c: {  	_ =	shalt  }
0x7d: {  	_ =	shalt  }
0x7e: {  	_ =	shalt  }
0x7f: {  	_ =	shalt  }
0x80: {  	_ =	shalt  }
0x81: {  	_ =	shalt  }
0x82: {  	_ =	shalt  }
0x83: {  	_ =	shalt  }
0x84: {  	_ =	shalt  }
0x85: {  	_ =	shalt  }
0x86: {  	_ =	shalt  }
0x87: {  	_ =	shalt  }
.Lfunc_end0:
.L_simem_size_0:
called_computation_lowered:
.L_overlay_start_0:
0x88: {  	s2 =	sld [smem:$0x3FD9]  }
0x89: {  	s3 =	sld [smem:$0x3FFE];
	_ =	sdelay $0x1  }
0x8a: {  	s1 =	srdreg.scid  }
0x8b: {  	s0 =	sand.u32 $0x1, s1  }
0x8c: {  	s14 =	sshll.u32 s0, $0xA;
	s2 =	sadd.s32 s3, s2  }
0x8d: {  	s2 =	sadd.s32 s2, s14  }
0x8e: {  	[smem:$0x3FC2] =	sst s2  }
0x8f: {  	_ = 	snop  }
0x90: {  	s2 =	sld [smem:$0x3FD0];
	_ =	sdelay $0x2  }
0x91: {  	s15 =	simm.s32 $0xA;
	s4 =	simm.s32 $0x10  }
0x92: {  	[smem:s4], [sflag:s15] =	dma.local [hbm:s2], $0x1  }
0x93: {  	_ =	swait.eq [sflag:s15], $0x1  }
0x94: {  	[sflag:s15] =	ssyncset.done $0x0  }
0x95: {  	[sflag:s15] =	ssyncadd.s32 $0xFFFFFFFF  }
0x96: {  	s16 =	sld [smem:$0x10];
	(tm) =	ssettm $0x1  }
0x97: {  	s17 =	sld [smem:$0x3FFB];
	_ =	sdelay $0x3  }
0x98: {  	_ =	strace s17  }
0x99: {  	s3 =	sld [smem:$0x3FFC];
	_ =	sdelay $0x3  }
0x9a: {  	_ =	strace s3  }
0x9b: {  	s3 =	sld [smem:$0x3FFD];
	_ =	sdelay $0x3  }
0x9c: {  	_ =	strace s3  }
0x9d: {  	_ =	strace $0x8FFFFFFF  }
0x9e: {  	s18 =	sld [smem:$0x3FDB];
	_ =	sdelay $0x1  }
0x9f: {  	s19 =	simm.s32 $_scs_section_size  }
0xa0: {  	s5 =	simm.s32 $_size__tile_overlayer_lowered;
	s6 =	simm.s32 $_tile_overlayer_lowered  }
0xa1: {  	s22 =	simm.s32 $0x1BFF;
	s21 =	sshll.u32 s6, $0x1;
	s3 =	sadd.s32 s19, s18  }
0xa2: {  	s7 =	simm.s32 $0x0;
	s20 =	sshll.u32 s5, $0x1;
	s5 =	sadd.s32 s21, s3  }
0xa3: {  	[timem:s7], [sflag:s22] =	dma.local [hbm:s5], s20  }
0xa4: {  	_ =	swait.ge [sflag:s22], s20  }
0xa5: {  	s4 =	ssub.s32 $0x0, s20;
	[sflag:s22] =	ssyncset.done $0x0  }
0xa6: {  	[sflag:s22] =	ssyncadd.s32 s4;
	_ =	sdelay $0x1  }
0xa7: {  	s23 =	simm.s32 $0x1B8B  }
0xa8: {  	_ =	swait.ge [sflag:s23], $0x1  }
0xa9: {  	[sflag:s23] =	ssyncset.done $0x0  }
0xaa: {  	s25 =	simm.s32 $0x1B8E;
	s24 =	sld [smem:$0x3FFE];
	[sflag:s23] =	ssyncadd.s32 $0xFFFFFFFF  }
0xab: {  	s26 =	simm.s32 $execute0_lowered;
	[smem:$0x3FD2] =	sst s25  }
0xac: {  	s5 =	sshll.u32 s26, $0x1;
	_ =	strace $0x80000046;
	[dreg:$0x1] =	wrdreg $0xFFFFFFFF  }
0xad: {  	s28 =	simm.s32 $_size_execute0_lowered;
	s3 =	sadd.s32 s3, s5;
	[dreg:$0x0] =	wrdreg $0x0  }
0xae: {  	s5 =	sshll.u32 s28, $0x1;
	[dreg:$0x2] =	wrdreg s3  }
0xaf: {  	[dreg:$0x3] =	wrdreg s5  }
0xb0: {  	[dreg:$0x4] =	wrdreg $0xC0  }
0xb1: {  	_ =	task [dreg:s7], $0x5FFFF  }
0xb2: {  	[dreg:$0x1] =	wrdreg $0xFFFFFFFF  }
0xb3: {  	[dreg:$0x0] =	wrdreg $0x60  }
0xb4: {  	[dreg:$0x2] =	wrdreg s16  }
0xb5: {  	[dreg:$0x3] =	wrdreg s24  }
0xb6: {  	[dreg:$0x4] =	wrdreg $0x9  }
0xb7: {  	_ =	task.clear_ibuf [dreg:s7], $0x5FFFF;
	_ =	strace $0x90000046  }
0xb8: {  	s29 =	simm.s32 $0x9;
	_ =	strace $0x80000048  }
0xb9: {  	_ =	swait.ge [sflag:s29], $0x1  }
0xba: {  	[sflag:s29] =	ssyncadd.s32 $0xFFFFFFFF  }
0xbb: {  	_ =	strace $0x90000048  }
0xbc: {  	_ =	sfence  }
0xbd: {  	s30 =	sld [smem:$0x0];
	_ =	sdelay $0x2  }
0xbe: {  	s31 =	sshll.u32 s1, $0xD;
	s1 =	sshrl.u32 s1, $0x2  }
0xbf: {  	s3 =	sand.u32 $0x4000, s31;
	s1 =	sadd.s32 s1, s30  }
0xc0: {  	s0 =	sor.u32 s3, s0;
	s1 =	sshll.u32 s1, $0x11  }
0xc1: {  	s0 =	sor.u32 s1, s0  }
0xc2: {  	s0 =	sadd.s32 $0x8F2B, s0  }
0xc3: {  	[sflag:s0] =	ssyncadd.remote.s32 $0x1  }
0xc4: {  	_ =	sfence.sel $0xFFFF  }
0xc5: {  	[dreg:$0x0] =	wrdreg $0xFFFFFFFF;
	(pc) =	sbr.abs _section_cstart, $3  }
0xc6: {  	[dreg:$0x1] =	wrdreg $0xFFFFFFFF  }
0xc7: {  	_ =	task.clear_ibuf [dreg:s7], $0x2FFFF;
	_ =	strace $0x9FFFFFFF  }
0xc8: {  	(tm) =	ssettm $0x7FFFFFFF  }
0xc9: {  	_ =	shalt  }
tec
execute0_lowered:
.L_overlay_start_1:
0x0: {  	(tag) =	ssettag $0x1  }
0x1: {  	s1 =	srdreg.scid  }
0x2: {  	s0 =	stileid.u32;
	s6 =	sand.u32 $0x1, s1  }
0x3: {  	s2 =	rddreg [dreg:$0x0];
	s30 =	sshll.u32 s0, $0x8;
	s3 =	sshll.u32 s6, $0x7  }
0x4: {  	s8 =	rddreg [dreg:$0x1];
	s7 =	simm.s32 $0x1;
	s9 =	sor.u32 s3, s30  }
0x5: {  	s1 =	rddreg [dreg:$0x2];
	s3 =	simm.s32 $0x0;
	s4 =	sshrl.u32 s9, $0x3  }
0x6: {  	s10 =	ssub.s32 $0x2, s6;
	[smem:$0x7FF] =	sst s3;
	s4 =	sadd.s32 s4, s8  }
0x7: {  	_ =	strace $0x80000047;
	s5 =	sadd.s32 $0x1600, s4;
	s4 =	simm.s32 $0x2  }
0x8: {  	[tilespmem:s3], [sflag:$0x2] =	stream.linear.gather [hbm4b:s5+s3], $0x80, $0x38;
	[tilespmem:$0x4080] =	vst v63  }
0x9: {  	s6 =	simm.s32 $0x80;
	s11 =	sshrl.u32 s10, $0x1;
	_ =	swait.ge [sflag:s4], $0x80  }
0xa: {  	s9 =	sshll.u32 s9, $0x4;
	s31 =	ssub.s32 s10, s11;
	[sflag:s4] =	ssyncset.done $0x0  }
0xb: {  	s8 =	sadd.s32 s9, s8;
	s9 =	smax.u32 s31, $0x1;
	[sflag:s4] =	ssyncadd.s32 $0xFFFFFF80  }
0xc: {  	[tilespmem:s6], [sflag:$0x1] =	stream.indirect.gather [hbm4b:s2+s6], $0x80, s3, s6, $0xb8;
	[tilespmem:$0x4080] =	vst v63  }
0xd: {  	p0 =	sne.s32 s9, $0x1;
	_ =	swait.ge [sflag:s7], $0x4000  }
.Ltmp0:
0xe: {  	[sflag:s7] =	ssyncset.done $0x0;
	(pc) =	sbr.rel @!p0 .LBB2_2-.Ltmp0, $4  }
0xf: {  	s8 =	sadd.s32 $0x1800, s8;
	[sflag:s7] =	ssyncadd.s32 $0xFFFFC000  }
0x10: {  	[hbm4b:s8+s3] =	stream.linear.scatter [tilespmem:s6], [sflag:$0x2], $0x4000, $0x38;
	[tilespmem:$0x4080] =	vst v63  }
0x11: {  	_ =	swait.ge [sflag:s4], $0x4000  }
0x12: {  	s9 =	sadd.s32 $0xFFFFFFFF, s9;
	[sflag:s4] =	ssyncset.done $0x0  }
.LBB2_1:
0x13: {  	p0 =	sne.s32 s9, $0x1;
	s9 =	sadd.s32 $0xFFFFFFFF, s9;
	[sflag:s4] =	ssyncadd.s32 $0xFFFFC000  }
0x14: {  	[tilespmem:s3], [sflag:$0x2] =	stream.linear.gather [hbm4b:s5+s3], $0x80, $0x38;
	[tilespmem:$0x4080] =	vst v63  }
0x15: {  	_ =	swait.ge [sflag:s4], $0x80  }
0x16: {  	[sflag:s4] =	ssyncset.done $0x0  }
0x17: {  	[sflag:s4] =	ssyncadd.s32 $0xFFFFFF80  }
0x18: {  	[tilespmem:s6], [sflag:$0x1] =	stream.indirect.gather [hbm4b:s2+s6], $0x80, s3, s6, $0xb8;
	[tilespmem:$0x4080] =	vst v63  }
0x19: {  	_ =	swait.ge [sflag:s7], $0x4000  }
.Ltmp1:
0x1a: {  	[sflag:s7] =	ssyncset.done $0x0;
	(pc) =	sbr.rel @p0 .LBB2_1-.Ltmp1, $4  }
0x1b: {  	[sflag:s7] =	ssyncadd.s32 $0xFFFFC000  }
0x1c: {  	[hbm4b:s8+s3] =	stream.linear.scatter [tilespmem:s6], [sflag:$0x2], $0x4000, $0x38;
	[tilespmem:$0x4080] =	vst v63  }
0x1d: {  	_ =	swait.ge [sflag:s4], $0x4000  }
0x1e: {  	[sflag:s4] =	ssyncset.done $0x0  }
.LBB2_2:
0x1f: {  	[sflag:s4] =	ssyncadd.s32 $0xFFFFC000  }
0x20: {  	_ =	sfence.sel $0x180000  }
0x21: {  	[bflag:$0x0] =	sbarrier.arrive $0xFFFF  }
0x22: {  	p0 =	sne.s32 s0, $0x0;
	_ =	strace $0x90000047  }
0x23: {  	s0 =	sadd.s32 @!p0 $0x100000, s1;
	[bflag:$0x2] =	sbarrier.arrive $0xFFFF  }
0x24: {  	[sflag:s0] =	ssyncadd.tile.s32 @!p0 $0x1;
	_ =	shalt  }
.Lfunc_end2:
_tile_overlayer_lowered:
.L_overlay_start_2:
0x25: {  	(tag) =	ssettag $0x2  }
0x26: {  	s0 =	rddreg [dreg:$0x0];
	s2 =	stileid.u32  }
0x27: {  	s1 =	rddreg [dreg:$0x1];
	p0 =	sne.s32 s2, $0x0  }
0x28: {  	s3 =	rddreg [dreg:$0x2];
	[bflag:$0x3] =	sbarrier.arrive $0xFFFF;
	s2 =	simm.s32 @!p0 $0x1C02  }
0x29: {  	[timem:s3], [sflag:s2] =	dma.local @!p0 [hbm:s0], s1  }
0x2a: {  	s0 =	simm.s32 @!p0 $0x2  }
0x2b: {  	_ =	swait.ge @!p0 [sflag:s0], s1  }
0x2c: {  	s1 =	ssub.s32 @!p0 $0x0, s1;
	[sflag:s0] =	ssyncset.done @!p0 $0x0  }
0x2d: {  	[sflag:s0] =	ssyncadd.s32 @!p0 s1  }
0x2e: {  	[bflag:$0x3] =	sbarrier.arrive $0xFFFF  }
0x2f: {  	_ =	shalt  }

</sc_bundles>
